<compile_context>
chip_gen: v7x
topology: tpu7x:2x2x1
jax: 0.10.2.dev20260603
libtpu: 0.0.44.dev20260713+nightly
codegen_flags: <defaults>
</compile_context>

<pallas_src>
import jax
import jax.numpy as jnp
from jax.experimental import pallas as pl

_ROWS = 3072


def _body(x_ref, o_ref):
    o_ref[...] = x_ref[...]


def kernel(x):
    b, c, h, w = x.shape
    xr = x.reshape(b * c, h * w)
    out = pl.pallas_call(
        _body,
        grid=(b * c // _ROWS,),
        in_specs=[pl.BlockSpec((_ROWS, h * w), lambda i: (i, 0))],
        out_specs=pl.BlockSpec((_ROWS, h * w), lambda i: (i, 0)),
        out_shape=jax.ShapeDtypeStruct((b * c, h * w), x.dtype),
    )(xr)
    return out.reshape(b, c, h, w)

# --- scband reference (transcript-rebuilt; emitter-appended) ---
"""Pipeline reference for scband-batch-drop-middle-34548716929669 (READ-ONLY COPY).

The authoritative reference and input builder live on the scoring server;
editing this copy changes nothing except your own understanding.
"""

import jax, jax.numpy as jnp
import numpy as np

H_RATIO = 0.33

def setup_inputs(seed: int = 0) -> dict:
    key = jax.random.key(seed)
    x = jax.random.normal(key, (128, 768, 16, 16), dtype=jnp.float32)
    return {"x": x}

def reference(x):
    b, c, h, w = x.shape
    rh = int(round(H_RATIO * h))
    # activation energy per spatial location
    act = (x ** 2).sum(axis=1)            # [b, h, w]
    act = act.reshape(b, h * w)
    # F.normalize(p=2, dim=1) with eps=1e-12
    norm = jnp.linalg.norm(act, ord=2, axis=1, keepdims=True)
    act = act / jnp.maximum(norm, 1e-12)
    act = act.reshape(b, h, w)
    max_act = act.max(axis=2)             # [b, h]
    ind = jnp.argsort(max_act, axis=1)    # ascending, like torch.argsort
    start = (h - rh) // 2
    mid_inds = ind[:, start:start + rh]   # [b, rh]
    mask = jnp.ones((b, h), dtype=x.dtype)
    mask = mask.at[jnp.arange(b)[:, None], mid_inds].set(0.0)
    # expand to [b, c, h, w] (repeat over w then over c, via broadcasting)
    mask4 = mask[:, None, :, None]
    return x * mask4

if __name__ == "__main__":
    import jax
    _d = setup_inputs()
    print(jax.jit(kernel)(*tuple(_d.values())))

</pallas_src>

<mosaic_0001>
module attributes {stable_mosaic.version = 14 : i64} {
  func.func @_body(%arg0: i32, %arg1: memref<3072x256xf32, #tpu.memory_space<vmem>>, %arg2: memref<3072x256xf32, #tpu.memory_space<vmem>>) attributes {dimension_semantics = [#tpu.dimension_semantics<arbitrary>], iteration_bounds = array<i64: 32>, scalar_prefetch = 0 : i64, scratch_operands = 0 : i64, tpu.core_type = #tpu.core_type<tc>, window_params = [{transform_indices = @transform_0, window_bounds = array<i64: 3072, 256>}, {transform_indices = @transform_1, window_bounds = array<i64: 3072, 256>}]} {
    %get3A = arith.constant 0 : index
    %get3A_0 = arith.constant 0 : index
    %get3A_1 = vector.load %arg1[%get3A, %get3A_0] : memref<3072x256xf32, #tpu.memory_space<vmem>>, vector<3072x256xf32>
    %swap3A = arith.constant 0 : index
    %swap3A_2 = arith.constant 0 : index
    %swap3A_3 = vector.load %arg2[%swap3A, %swap3A_2] : memref<3072x256xf32, #tpu.memory_space<vmem>>, vector<3072x256xf32>
    tpu.vector_store %arg2[%swap3A, %swap3A_2], %get3A_1 {strides = array<i32>} : memref<3072x256xf32, #tpu.memory_space<vmem>>, vector<3072x256xf32>,
    return
  }
  func.func @transform_0(%arg0: i32) -> (i32, i32) {
    %c0_i32 = arith.constant 0 : i32
    %c0_i32_0 = arith.constant 0 : i32
    return %arg0, %c0_i32 : i32, i32
  }
  func.func @transform_1(%arg0: i32) -> (i32, i32) {
    %c0_i32 = arith.constant 0 : i32
    %c0_i32_0 = arith.constant 0 : i32
    return %arg0, %c0_i32 : i32, i32
  }
}

</mosaic_0001>

<sc_bundles>
// kernel: sparse-core-data-format-call.1.cloned.1.call-start
scs
called_computation.1_lowered:
.L_overlay_start_0:
0x0: {  	s2 =	sld [smem:$0x3FD9]  }
0x1: {  	s3 =	sld [smem:$0x3FFE];
	_ =	sdelay $0x1  }
0x2: {  	s1 =	srdreg.scid  }
0x3: {  	s0 =	sand.u32 $0x1, s1  }
0x4: {  	s18 =	sshll.u32 s0, $0xA;
	s2 =	sadd.s32 s3, s2  }
0x5: {  	s2 =	sadd.s32 s2, s18  }
0x6: {  	[smem:$0x3FC7] =	sst s2  }
0x7: {  	_ = 	snop  }
0x8: {  	s2 =	sld [smem:$0x3FD0];
	(tm) =	ssettm $0x1  }
0x9: {  	s19 =	sld [smem:$0x3FFB];
	_ =	sdelay $0x3  }
0xa: {  	_ =	strace s19  }
0xb: {  	s3 =	sld [smem:$0x3FFC];
	_ =	sdelay $0x3  }
0xc: {  	_ =	strace s3  }
0xd: {  	s3 =	sld [smem:$0x3FFD];
	_ =	sdelay $0x3  }
0xe: {  	_ =	strace s3  }
0xf: {  	_ =	strace $0x8FFFFFFF  }
0x10: {  	s20 =	sld [smem:$0x3FDB];
	_ =	sdelay $0x1  }
0x11: {  	s4 =	simm.s32 $_scs_section_size  }
0x12: {  	s5 =	simm.s32 $_size__tile_overlayer_lowered;
	s6 =	simm.s32 $_tile_overlayer_lowered  }
0x13: {  	s23 =	simm.s32 $0x1BFF;
	s22 =	sshll.u32 s6, $0x1;
	s3 =	sadd.s32 s4, s20  }
0x14: {  	s7 =	simm.s32 $0x0;
	s21 =	sshll.u32 s5, $0x1;
	s5 =	sadd.s32 s22, s3  }
0x15: {  	[timem:s7], [sflag:s23] =	dma.local [hbm:s5], s21  }
0x16: {  	_ =	swait.ge [sflag:s23], s21  }
0x17: {  	s4 =	ssub.s32 $0x0, s21;
	[sflag:s23] =	ssyncset.done $0x0  }
0x18: {  	[sflag:s23] =	ssyncadd.s32 s4;
	_ =	sdelay $0x1  }
0x19: {  	s24 =	simm.s32 $0x1B8B  }
0x1a: {  	_ =	swait.ge [sflag:s24], $0x1  }
0x1b: {  	[sflag:s24] =	ssyncset.done $0x0  }
0x1c: {  	s26 =	simm.s32 $0x1B8E;
	s25 =	sld [smem:$0x3FFE];
	[sflag:s24] =	ssyncadd.s32 $0xFFFFFFFF  }
0x1d: {  	s27 =	simm.s32 $execute0_lowered;
	[smem:$0x3FD2] =	sst s26  }
0x1e: {  	s5 =	sshll.u32 s27, $0x1;
	_ =	strace $0x80000049;
	[dreg:$0x1] =	wrdreg $0xFFFFFFFF  }
0x1f: {  	s28 =	simm.s32 $_size_execute0_lowered;
	s3 =	sadd.s32 s3, s5;
	[dreg:$0x0] =	wrdreg $0x0  }
0x20: {  	s5 =	sshll.u32 s28, $0x1;
	[dreg:$0x2] =	wrdreg s3  }
0x21: {  	[dreg:$0x3] =	wrdreg s5  }
0x22: {  	[dreg:$0x4] =	wrdreg $0xC0  }
0x23: {  	_ =	task [dreg:s7], $0x5FFFF  }
0x24: {  	[dreg:$0x1] =	wrdreg $0xFFFFFFFF  }
0x25: {  	[dreg:$0x0] =	wrdreg $0x60  }
0x26: {  	[dreg:$0x2] =	wrdreg s2  }
0x27: {  	[dreg:$0x3] =	wrdreg s25  }
0x28: {  	[dreg:$0x4] =	wrdreg $0x9  }
0x29: {  	_ =	task.clear_ibuf [dreg:s7], $0x5FFFF;
	_ =	strace $0x90000049  }
0x2a: {  	s29 =	simm.s32 $0x9;
	_ =	strace $0x8000004B  }
0x2b: {  	_ =	swait.ge [sflag:s29], $0x1  }
0x2c: {  	[sflag:s29] =	ssyncadd.s32 $0xFFFFFFFF  }
0x2d: {  	_ =	strace $0x9000004B  }
0x2e: {  	_ =	sfence  }
0x2f: {  	s30 =	sld [smem:$0x0];
	_ =	sdelay $0x2  }
0x30: {  	s31 =	sshll.u32 s1, $0xD;
	s1 =	sshrl.u32 s1, $0x2  }
0x31: {  	s3 =	sand.u32 $0x4000, s31;
	s1 =	sadd.s32 s1, s30  }
0x32: {  	s0 =	sor.u32 s3, s0;
	s1 =	sshll.u32 s1, $0x11  }
0x33: {  	s0 =	sor.u32 s1, s0  }
0x34: {  	s0 =	sadd.s32 $0x8F2B, s0  }
0x35: {  	[sflag:s0] =	ssyncadd.remote.s32 $0x1  }
0x36: {  	_ =	sfence.sel $0xFFFF  }
0x37: {  	[dreg:$0x0] =	wrdreg $0xFFFFFFFF;
	(pc) =	sbr.abs _section_cstart, $3  }
0x38: {  	[dreg:$0x1] =	wrdreg $0xFFFFFFFF  }
0x39: {  	_ =	task.clear_ibuf [dreg:s7], $0x2FFFF;
	_ =	strace $0x9FFFFFFF  }
0x3a: {  	(tm) =	ssettm $0x7FFFFFFF  }
0x3b: {  	_ =	shalt  }
tec
execute0_lowered:
.L_overlay_start_1:
0x0: {  	(tag) =	ssettag $0x1  }
0x1: {  	s2 =	rddreg [dreg:$0x0]  }
0x2: {  	s1 =	rddreg [dreg:$0x1]  }
0x3: {  	s0 =	rddreg [dreg:$0x2];
	_ =	strace $0x8000004A;
	s4 =	srdreg.scid  }
0x4: {  	s6 =	simm.s32 $0x2;
	s13 =	simm.s32 $0x0;
	p0 =	por $0x0, $0x0  }
0x5: {  	s12 =	simm.s32 $0x0;
	s15 =	simm.s32 $0x0;
	s14 =	simm.s32 $0x0  }
.Ltmp0:
0x6: {  	s8 =	simm.s32 $0x0;
	s9 =	simm.s32 $0x0;
	(pc) =	sbr.rel .LBB1_1-.Ltmp0, $4  }
0x7: {  	s10 =	simm.s32 $0x0;
	s3 =	sadd.s32 $0xC00, s1;
	s5 =	sshll.u32 s4, $0x4  }
0x8: {  	s1 =	stileid.u32;
	s4 =	simm.s32 $0x1;
	s5 =	sand.u32 $0x10, s5  }
0x9: {  	s7 =	simm.s32 $0x0;
	[sflag:s4] =	ssyncpa.u1 $0x0;
	s5 =	sor.u32 s1, s5  }
0xa: {  	[sflag:s6] =	ssyncpa.u1 $0x0;
	s6 =	simm.s32 $0x18000;
	s11 =	smov.u32 s5  }
.LBB1_7:
0xb: {  	s16 =	sadd.s32 $0x100, s8  }
0xc: {  	s12 =	sadd.s32 $0x8, s9;
	s17 =	smov.u32 s9;
	p2 =	sgt.s32 s16, $0x2FF  }
0xd: {  	s17 =	smov.u32 @p2 s12  }
0xe: {  	s18 =	smov.u32 s10;
	s12 =	sadd.s32 $0x8, s10;
	p3 =	sgt.s32 s17, $0x7  }
0xf: {  	s18 =	smov.u32 @p3 s12  }
0x10: {  	s19 =	smov.u32 s11;
	s12 =	sadd.s32 $0x20, s11;
	p4 =	sgt.s32 s18, $0x7F  }
0x11: {  	p1 =	slt.u32 s7, $0x2;
	s19 =	smov.u32 @p4 s12  }
0x12: {  	s7 =	sadd.s32 $0x1, s7;
	s16 =	simm.s32 @p2 $0x0;
	p2 =	sgt.s32 s19, $0x1F  }
0x13: {  	s13 =	smov.u32 s8;
	s19 =	smov.u32 @p2 s5;
	p2 =	sne.s32 s7, $0x32  }
.Ltmp1:
0x14: {  	s15 =	smov.u32 s10;
	s20 =	simm.s32 @!p1 $0x2;
	(pc) =	sbr.rel @!p2 .LBB1_8-.Ltmp1, $4  }
0x15: {  	s14 =	smov.u32 s11;
	p0 =	por !p0, !p0;
	_ =	swait.ge @!p1 [sflag:s20], $0x4000  }
0x16: {  	[sflag:s20] =	ssyncset.done @!p1 $0x0;
	s8 =	smov.u32 s16;
	s17 =	simm.s32 @p3 $0x0  }
0x17: {  	[sflag:s20] =	ssyncadd.s32 @!p1 $0xFFFFC000;
	s18 =	simm.s32 @p4 $0x0;
	s12 =	smov.u32 s9  }
0x18: {  	s9 =	smov.u32 s17;
	s10 =	smov.u32 s18;
	s11 =	smov.u32 s19  }
.LBB1_1:
0x19: {  	p1 =	sgt.u32 s7, $0x2F  }
0x1a: {  	s16 =	sshrl.u32 @!p1 s9, $0x3  }
0x1b: {  	s17 =	sshll.u32 @!p1 s8, $0x3;
	s16 =	smul.u32 @!p1 $0x1800, s16  }
0x1c: {  	s18 =	sshll.u32 @!p1 s9, $0x7;
	s17 =	sand.u32 @!p1 $0xFFFFFC00, s17  }
0x1d: {  	s16 =	sadd.s32 @!p1 s16, s17;
	s17 =	sand.u32 @!p1 $0x380, s18  }
0x1e: {  	s18 =	sand.u32 @!p1 $0x7F, s8;
	s16 =	sor.u32 @!p1 s17, s16  }
0x1f: {  	s17 =	sor.u32 @!p1 s18, s16  }
0x20: {  	s18 =	smulhi.u32 @!p1 $0xAAAAAAAB, s17  }
0x21: {  	s16 =	smulhi.u32 @!p1 $0xAAAAAAAB, s16  }
0x22: {  	s20 =	smul.u32 @!p1 $0x18000, s11;
	s18 =	sshrl.u32 @!p1 s18, $0x9  }
0x23: {  	s19 =	sxor.u32 @!p1 $0xFFFFFFFF, s7;
	s16 =	sshrl.u32 @!p1 s16, $0x9;
	s18 =	smul.u32 @!p1 $0x300, s18  }
0x24: {  	s21 =	smul.u32 @!p1 $0x300, s10;
	s19 =	sshll.u32 @!p1 s19, $0xE;
	s16 =	sand.u32 @!p1 $0x7, s16  }
0x25: {  	s16 =	smul.u32 @!p1 $0x60, s16;
	s17 =	ssub.s32 @!p1 s17, s18;
	s18 =	sadd.s32 @!p1 s2, s20  }
0x26: {  	s19 =	sand.u32 @!p1 $0x4000, s19;
	s18 =	sadd.s32 @!p1 s21, s18;
	s20 =	sand.u32 @!p1 $0x7, s17  }
0x27: {  	s17 =	sshrl.u32 @!p1 s17, $0x3;
	s16 =	sadd.s32 @!p1 s16, s18;
	s18 =	sshll.u32 @!p1 s20, $0x12  }
0x28: {  	s16 =	sadd.s32 @!p1 s17, s16;
	s17 =	sor.u32 @!p1 $0x800, s18;
	s18 =	simm.s32 @!p1 $0x1800  }
0x29: {  	[tilespmem:s19], [sflag:$0x1] =	stream.strided.gather @!p1 [hbm4b:s16+s17], $0x4000, s18, s17, $0x38;
	[tilespmem:$0x10000] =	vst v63  }
0x2a: {  	p1 =	seq.s32 s7, $0x0  }
0x2b: {  	p2 =	seq.s32 @!p1 s7, $0x31  }
0x2c: {  	p1 =	por p1, p2  }
.Ltmp2:
0x2d: {  	_ = 	snop;
	(pc) =	sbr.rel @p1 .LBB1_7-.Ltmp2, $1  }
0x2e: {  	_ =	sdelay $0x3  }
0x2f: {  	s16 =	simm.s32 $0x1;
	_ =	swait.ge [sflag:s4], $0x4000  }
0x30: {  	s31 =	sshll.u32 s7, $0xE;
	s21 =	simm.s32 $0x0;
	p1 =	por $0x0, $0x0  }
0x31: {  	s22 =	simm.s32 $0x0;
	s23 =	simm.s32 $0x0;
	s16 =	simm.s32 @!p0 $0x0  }
0x32: {  	[sflag:s4] =	ssyncset.done $0x0;
	s19 =	sand.u32 $0x4000, s31;
	s16 =	sshll.u32 s16, $0x10  }
0x33: {  	[sflag:s4] =	ssyncadd.s32 $0xFFFFC000;
	s20 =	sshrl.u32 s16, $0x2;
	s16 =	sor.u32 $0x8000, s19  }
0x34: {  	s17 =	sor.u32 $0x40, s20;
	s18 =	sor.u32 $0x8410, s20;
	s20 =	sadd.s32 $0x8400, s20  }
.LBB1_3:
0x35: {  	v1 =	vld [tilespmem:s17+$0xFFFFFFD0]  }
0x36: {  	v2 =	vld [tilespmem:s17+$0x430]  }
0x37: {  	s24 =	sshll.u32 s23, $0xB;
	v4 =	vld [tilespmem:s17+$0xFFFFFFE0]  }
0x38: {  	v7 =	vld [tilespmem:s17+$0xFFFFFFF0];
	v0 =	vmov s24  }
0x39: {  	v8 =	vld [tilespmem:s17+$0x0]  }
0x3a: {  	s30 =	sand.u32 $0x300, s21;
	v9 =	vld [tilespmem:s17+$0x10]  }
0x3b: {  	s25 =	sand.u32 $0x80, s21;
	v10 =	vld [tilespmem:s17+$0x20];
	s24 =	sadd.s32 s30, s19  }
0x3c: {  	v11 =	vld [tilespmem:s17+$0x30];
	s24 =	sadd.s32 s25, s24;
	s25 =	simm.s32 $0x1;
	[tilespmem:s18+$0x60] =	vst v2  }
0x3d: {  	s31 =	sshll.u32 s22, $0x2;
	s25 =	simm.s32 @!p1 $0x0;
	[tilespmem:s18+$0xFFFFFC00] =	vst v1;
	v3 =	vld.idx.msk [tilespmem:v0+s24+$0x400 ss:$0x1], $0xffff  }
0x3e: {  	v6 =	vld [tilespmem:s17+$0x3D0];
	s25 =	sshll.u32 s25, $0x9;
	[tilespmem:s18+$0xFFFFFC10] =	vst v4;
	s24 =	sand.u32 $0xFFFFFC00, s31  }
0x3f: {  	v5 =	vld [tilespmem:s17+$0x3E0];
	[tilespmem:s18+$0xFFFFFC20] =	vst v7;
	s24 =	sor.u32 s25, s24  }
0x40: {  	[tilespmem:s18+$0xFFFFFC30] =	vst v8;
	v4 =	vld [tilespmem:s17+$0x400];
	s24 =	sshrl.u32 s24, $0x2  }
0x41: {  	[tilespmem:s18+$0xFFFFFC40] =	vst v9;
	v1 =	vld [tilespmem:s17+$0x410];
	s24 =	sadd.s32 s24, s20  }
0x42: {  	[tilespmem:s24+$0x0] =	vst v3;
	v3 =	vld [tilespmem:s17+$0x3F0]  }
0x43: {  	s28 =	simm.s32 $0x80;
	s27 =	simm.s32 $0x100;
	[tilespmem:s18+$0xFFFFFC50] =	vst v10;
	v2 =	vld [tilespmem:s17+$0x420]  }
0x44: {  	s26 =	smov.u32 s18;
	s29 =	sand.u32 $0x300, s28;
	v7 =	vld [tilespmem:s17+$0xFFFFFFC0];
	[tilespmem:s18+$0xFFFFFC60] =	vst v11;
	s25 =	sadd.s32 $0x80, s17  }
.LBB1_4:
0x45: {  	p2 =	sne.s32 s27, $0x380;
	v8 =	vld [tilespmem:s25+$0xFFFFFFD0];
	s28 =	sand.u32 $0x80, s28;
	s29 =	sadd.s32 s29, s19;
	[tilespmem:s26+$0x0] =	vst v6  }
0x46: {  	s29 =	sadd.s32 s28, s29;
	v6 =	vld [tilespmem:s25+$0x430];
	[tilespmem:s26+$0x10] =	vst v5;
	s28 =	smov.u32 s27  }
0x47: {  	v5 =	vld.idx.msk [tilespmem:v0+s29+$0x400 ss:$0x1], $0xffff;
	[tilespmem:s26+$0x20] =	vst v3  }
0x48: {  	v3 =	vld [tilespmem:s25+$0xFFFFFFE0];
	[tilespmem:s26+$0x30] =	vst v4  }
0x49: {  	v4 =	vld [tilespmem:s25+$0xFFFFFFF0];
	[tilespmem:s26+$0xFFFFFBF0] =	vst v7  }
0x4a: {  	v7 =	vld [tilespmem:s25+$0x0];
	[tilespmem:s26+$0x40] =	vst v1  }
0x4b: {  	v1 =	vld [tilespmem:s25+$0x10];
	[tilespmem:s26+$0x50] =	vst v2;
	s26 =	sadd.s32 $0x800, s26  }
0x4c: {  	s24 =	sadd.s32 $0x800, s24;
	v2 =	vld [tilespmem:s25+$0x20];
	[tilespmem:s26+$0x60] =	vst v6  }
0x4d: {  	v9 =	vld [tilespmem:s25+$0x30];
	[tilespmem:s24+$0x0] =	vst v5  }
0x4e: {  	[tilespmem:s26+$0xFFFFFC00] =	vst v8;
	v6 =	vld [tilespmem:s25+$0x3D0]  }
0x4f: {  	[tilespmem:s26+$0xFFFFFC10] =	vst v3;
	v5 =	vld [tilespmem:s25+$0x3E0]  }
.Ltmp3:
0x50: {  	[tilespmem:s26+$0xFFFFFC20] =	vst v4;
	v3 =	vld [tilespmem:s25+$0x3F0];
	(pc) =	sbr.rel @p2 .LBB1_4-.Ltmp3, $4  }
0x51: {  	[tilespmem:s26+$0xFFFFFC30] =	vst v7;
	v4 =	vld [tilespmem:s25+$0x400]  }
0x52: {  	[tilespmem:s26+$0xFFFFFC40] =	vst v1;
	v1 =	vld [tilespmem:s25+$0x410]  }
0x53: {  	[tilespmem:s26+$0xFFFFFC50] =	vst v2;
	v2 =	vld [tilespmem:s25+$0x420]  }
0x54: {  	s27 =	sadd.s32 $0x80, s27;
	s29 =	sand.u32 $0x300, s28;
	v7 =	vld [tilespmem:s25+$0xFFFFFFC0];
	[tilespmem:s26+$0xFFFFFC60] =	vst v9;
	s25 =	sadd.s32 $0x80, s25  }
0x55: {  	[tilespmem:s26+$0x0] =	vst v6  }
0x56: {  	[tilespmem:s26+$0x10] =	vst v5  }
0x57: {  	v49 =	vld [tilespmem:s25+$0x430];
	[tilespmem:s26+$0x20] =	vst v3  }
0x58: {  	v50 =	vld [tilespmem:s25+$0xFFFFFFD0];
	[tilespmem:s26+$0x30] =	vst v4  }
0x59: {  	v51 =	vld [tilespmem:s25+$0xFFFFFFE0];
	[tilespmem:s26+$0x40] =	vst v1  }
0x5a: {  	v52 =	vld [tilespmem:s25+$0xFFFFFFF0];
	[tilespmem:s26+$0x50] =	vst v2  }
0x5b: {  	s31 =	sadd.s32 $0x800, s26;
	v53 =	vld [tilespmem:s25+$0x0];
	[tilespmem:s26+$0xFFFFFBF0] =	vst v7  }
0x5c: {  	v54 =	vld [tilespmem:s25+$0x10];
	[tilespmem:s31+$0x60] =	vst v49  }
0x5d: {  	v55 =	vld [tilespmem:s25+$0x20];
	[tilespmem:s31+$0xFFFFFC00] =	vst v50  }
0x5e: {  	v56 =	vld [tilespmem:s25+$0x30];
	[tilespmem:s31+$0xFFFFFC10] =	vst v51  }
0x5f: {  	v57 =	vld [tilespmem:s25+$0x3D0];
	[tilespmem:s31+$0xFFFFFC20] =	vst v52  }
0x60: {  	v58 =	vld [tilespmem:s25+$0x3E0];
	[tilespmem:s31+$0xFFFFFC30] =	vst v53  }
0x61: {  	v59 =	vld [tilespmem:s25+$0x3F0];
	[tilespmem:s31+$0xFFFFFC40] =	vst v54  }
0x62: {  	v60 =	vld [tilespmem:s25+$0x400];
	[tilespmem:s31+$0xFFFFFC50] =	vst v55  }
0x63: {  	v61 =	vld [tilespmem:s25+$0xFFFFFFC0];
	[tilespmem:s31+$0xFFFFFC60] =	vst v56  }
0x64: {  	s27 =	sand.u32 $0x80, s28;
	s30 =	sadd.s32 s29, s19;
	v62 =	vld [tilespmem:s25+$0x410];
	[tilespmem:s31+$0x0] =	vst v57  }
0x65: {  	v63 =	vld [tilespmem:s25+$0x420];
	s23 =	sadd.s32 $0x1, s23;
	s27 =	sadd.s32 s27, s30;
	[tilespmem:s31+$0x10] =	vst v58  }
0x66: {  	p2 =	sne.s32 s23, $0x8;
	v0 =	vld.idx.msk [tilespmem:v0+s27+$0x400 ss:$0x1], $0xffff;
	[tilespmem:s31+$0x20] =	vst v59  }
.Ltmp4:
0x67: {  	[tilespmem:s31+$0x30] =	vst v60;
	(pc) =	sbr.rel @p2 .LBB1_3-.Ltmp4, $4  }
0x68: {  	[tilespmem:s31+$0xFFFFFBF0] =	vst v61  }
0x69: {  	[tilespmem:s31+$0x40] =	vst v62  }
0x6a: {  	s24 =	sadd.s32 $0x800, s24;
	s17 =	sadd.s32 $0x800, s17;
	[tilespmem:s31+$0x50] =	vst v63  }
0x6b: {  	s22 =	sadd.s32 $0x80, s22;
	p1 =	por !p1, !p1;
	s18 =	sadd.s32 $0x80, s18;
	[tilespmem:s24+$0x0] =	vst v0  }
0x6c: {  	s17 =	sshrl.u32 s15, $0x3  }
0x6d: {  	s18 =	sshll.u32 s13, $0x3;
	s17 =	smul.u32 $0x1800, s17  }
0x6e: {  	s27 =	sshll.u32 s15, $0x7;
	s18 =	sand.u32 $0xFFFFFC00, s18  }
0x6f: {  	s15 =	sand.u32 $0x380, s27;
	s17 =	sadd.s32 s17, s18  }
0x70: {  	s28 =	sand.u32 $0x7F, s13;
	s15 =	sor.u32 s15, s17  }
0x71: {  	s13 =	sor.u32 s28, s15;
	s15 =	smulhi.u32 $0xAAAAAAAB, s15  }
0x72: {  	s29 =	smulhi.u32 $0xAAAAAAAB, s13  }
0x73: {  	s14 =	smul.u32 $0x18000, s14  }
0x74: {  	s12 =	smul.u32 $0x3000, s12;
	s15 =	sshrl.u32 s15, $0x9;
	s17 =	sshrl.u32 s29, $0x9  }
0x75: {  	s15 =	sand.u32 $0x7F, s15;
	s17 =	smul.u32 $0x300, s17  }
0x76: {  	s15 =	smul.u32 $0x60, s15  }
.Ltmp5:
0x77: {  	s14 =	sadd.s32 s3, s14;
	s13 =	ssub.s32 s13, s17;
	(pc) =	sbr.rel .LBB1_7-.Ltmp5, $4  }
0x78: {  	s12 =	sadd.s32 s12, s14;
	s30 =	sand.u32 $0x7, s13  }
0x79: {  	s12 =	sadd.s32 s15, s12;
	s13 =	sshrl.u32 s13, $0x3;
	s14 =	sshll.u32 s30, $0x12  }
0x7a: {  	s12 =	sadd.s32 s13, s12;
	s31 =	sor.u32 $0x800, s14  }
0x7b: {  	[hbm4b:s12+s31] =	stream.strided.scatter [tilespmem:s16], [sflag:$0x2], $0x4000, s6, s31, $0x38;
	[tilespmem:$0x10000] =	vst v63  }
.LBB1_8:
0x7c: {  	_ =	sfence.sel $0x180000  }
0x7d: {  	s2 =	simm.s32 $0x1;
	[bflag:$0x0] =	sbarrier.arrive $0xFFFF  }
0x7e: {  	s31 =	simm.s32 $0x2;
	[sflag:s2] =	ssyncpa.u1 $0x1  }
0x7f: {  	[sflag:s31] =	ssyncpa.u1 $0x1  }
0x80: {  	p0 =	sne.s32 s1, $0x0;
	_ =	strace $0x9000004A  }
0x81: {  	s0 =	sadd.s32 @!p0 $0x100000, s0;
	[bflag:$0x2] =	sbarrier.arrive $0xFFFF  }
0x82: {  	[sflag:s0] =	ssyncadd.tile.s32 @!p0 $0x1;
	_ =	shalt  }
.Lfunc_end1:
_tile_overlayer_lowered:
.L_overlay_start_2:
0x83: {  	(tag) =	ssettag $0x2  }
0x84: {  	s0 =	rddreg [dreg:$0x0];
	s2 =	stileid.u32  }
0x85: {  	s1 =	rddreg [dreg:$0x1];
	p0 =	sne.s32 s2, $0x0  }
0x86: {  	s3 =	rddreg [dreg:$0x2];
	[bflag:$0x3] =	sbarrier.arrive $0xFFFF;
	s2 =	simm.s32 @!p0 $0x1C01  }
0x87: {  	[timem:s3], [sflag:s2] =	dma.local @!p0 [hbm:s0], s1  }
0x88: {  	s0 =	simm.s32 @!p0 $0x1  }
0x89: {  	_ =	swait.ge @!p0 [sflag:s0], s1  }
0x8a: {  	s1 =	ssub.s32 @!p0 $0x0, s1;
	[sflag:s0] =	ssyncset.done @!p0 $0x0  }
0x8b: {  	[sflag:s0] =	ssyncadd.s32 @!p0 s1  }
0x8c: {  	[bflag:$0x3] =	sbarrier.arrive $0xFFFF  }
0x8d: {  	_ =	shalt  }

// kernel: sparse-core-data-format-call.2.cloned.1.call-start
scs
called_computation.2_lowered:
.L_overlay_start_0:
0x0: {  	s2 =	sld [smem:$0x3FD9]  }
0x1: {  	s3 =	sld [smem:$0x3FFE];
	_ =	sdelay $0x1  }
0x2: {  	s1 =	srdreg.scid  }
0x3: {  	s0 =	sand.u32 $0x1, s1  }
0x4: {  	s18 =	sshll.u32 s0, $0xA;
	s2 =	sadd.s32 s3, s2  }
0x5: {  	s2 =	sadd.s32 s2, s18  }
0x6: {  	[smem:$0x3FC7] =	sst s2  }
0x7: {  	_ = 	snop  }
0x8: {  	s2 =	sld [smem:$0x3FD0];
	(tm) =	ssettm $0x1  }
0x9: {  	s19 =	sld [smem:$0x3FFB];
	_ =	sdelay $0x3  }
0xa: {  	_ =	strace s19  }
0xb: {  	s3 =	sld [smem:$0x3FFC];
	_ =	sdelay $0x3  }
0xc: {  	_ =	strace s3  }
0xd: {  	s3 =	sld [smem:$0x3FFD];
	_ =	sdelay $0x3  }
0xe: {  	_ =	strace s3  }
0xf: {  	_ =	strace $0x8FFFFFFF  }
0x10: {  	s20 =	sld [smem:$0x3FDB];
	_ =	sdelay $0x1  }
0x11: {  	s4 =	simm.s32 $_scs_section_size  }
0x12: {  	s5 =	simm.s32 $_size__tile_overlayer_lowered;
	s6 =	simm.s32 $_tile_overlayer_lowered  }
0x13: {  	s23 =	simm.s32 $0x1BFF;
	s22 =	sshll.u32 s6, $0x1;
	s3 =	sadd.s32 s4, s20  }
0x14: {  	s7 =	simm.s32 $0x0;
	s21 =	sshll.u32 s5, $0x1;
	s5 =	sadd.s32 s22, s3  }
0x15: {  	[timem:s7], [sflag:s23] =	dma.local [hbm:s5], s21  }
0x16: {  	_ =	swait.ge [sflag:s23], s21  }
0x17: {  	s4 =	ssub.s32 $0x0, s21;
	[sflag:s23] =	ssyncset.done $0x0  }
0x18: {  	[sflag:s23] =	ssyncadd.s32 s4;
	_ =	sdelay $0x1  }
0x19: {  	s24 =	simm.s32 $0x1B8B  }
0x1a: {  	_ =	swait.ge [sflag:s24], $0x1  }
0x1b: {  	[sflag:s24] =	ssyncset.done $0x0  }
0x1c: {  	s26 =	simm.s32 $0x1B8E;
	s25 =	sld [smem:$0x3FFE];
	[sflag:s24] =	ssyncadd.s32 $0xFFFFFFFF  }
0x1d: {  	s27 =	simm.s32 $execute0_lowered;
	[smem:$0x3FD2] =	sst s26  }
0x1e: {  	s5 =	sshll.u32 s27, $0x1;
	_ =	strace $0x80000046;
	[dreg:$0x1] =	wrdreg $0xFFFFFFFF  }
0x1f: {  	s28 =	simm.s32 $_size_execute0_lowered;
	s3 =	sadd.s32 s3, s5;
	[dreg:$0x0] =	wrdreg $0x0  }
0x20: {  	s5 =	sshll.u32 s28, $0x1;
	[dreg:$0x2] =	wrdreg s3  }
0x21: {  	[dreg:$0x3] =	wrdreg s5  }
0x22: {  	[dreg:$0x4] =	wrdreg $0xC0  }
0x23: {  	_ =	task [dreg:s7], $0x5FFFF  }
0x24: {  	[dreg:$0x1] =	wrdreg $0xFFFFFFFF  }
0x25: {  	[dreg:$0x0] =	wrdreg $0x60  }
0x26: {  	[dreg:$0x2] =	wrdreg s2  }
0x27: {  	[dreg:$0x3] =	wrdreg s25  }
0x28: {  	[dreg:$0x4] =	wrdreg $0x9  }
0x29: {  	_ =	task.clear_ibuf [dreg:s7], $0x5FFFF;
	_ =	strace $0x90000046  }
0x2a: {  	s29 =	simm.s32 $0x9;
	_ =	strace $0x80000048  }
0x2b: {  	_ =	swait.ge [sflag:s29], $0x1  }
0x2c: {  	[sflag:s29] =	ssyncadd.s32 $0xFFFFFFFF  }
0x2d: {  	_ =	strace $0x90000048  }
0x2e: {  	_ =	sfence  }
0x2f: {  	s30 =	sld [smem:$0x0];
	_ =	sdelay $0x2  }
0x30: {  	s31 =	sshll.u32 s1, $0xD;
	s1 =	sshrl.u32 s1, $0x2  }
0x31: {  	s3 =	sand.u32 $0x4000, s31;
	s1 =	sadd.s32 s1, s30  }
0x32: {  	s0 =	sor.u32 s3, s0;
	s1 =	sshll.u32 s1, $0x11  }
0x33: {  	s0 =	sor.u32 s1, s0  }
0x34: {  	s0 =	sadd.s32 $0x8F2B, s0  }
0x35: {  	[sflag:s0] =	ssyncadd.remote.s32 $0x1  }
0x36: {  	_ =	sfence.sel $0xFFFF  }
0x37: {  	[dreg:$0x0] =	wrdreg $0xFFFFFFFF;
	(pc) =	sbr.abs _section_cstart, $3  }
0x38: {  	[dreg:$0x1] =	wrdreg $0xFFFFFFFF  }
0x39: {  	_ =	task.clear_ibuf [dreg:s7], $0x2FFFF;
	_ =	strace $0x9FFFFFFF  }
0x3a: {  	(tm) =	ssettm $0x7FFFFFFF  }
0x3b: {  	_ =	shalt  }
tec
execute0_lowered:
.L_overlay_start_1:
0x0: {  	(tag) =	ssettag $0x1  }
0x1: {  	s2 =	rddreg [dreg:$0x0]  }
0x2: {  	s1 =	rddreg [dreg:$0x1]  }
0x3: {  	s0 =	rddreg [dreg:$0x2];
	_ =	strace $0x80000047;
	s4 =	srdreg.scid  }
0x4: {  	s6 =	simm.s32 $0x2;
	s14 =	simm.s32 $0x0;
	p0 =	por $0x0, $0x0  }
0x5: {  	s12 =	simm.s32 $0x0;
	s15 =	simm.s32 $0x0;
	s13 =	simm.s32 $0x0  }
.Ltmp0:
0x6: {  	s8 =	simm.s32 $0x0;
	s9 =	simm.s32 $0x0;
	(pc) =	sbr.rel .LBB1_1-.Ltmp0, $4  }
0x7: {  	s10 =	simm.s32 $0x0;
	s3 =	sadd.s32 $0xC00, s1;
	s5 =	sshll.u32 s4, $0x4  }
0x8: {  	s1 =	stileid.u32;
	s4 =	simm.s32 $0x1;
	s5 =	sand.u32 $0x10, s5  }
0x9: {  	s7 =	simm.s32 $0x0;
	[sflag:s4] =	ssyncpa.u1 $0x0;
	s5 =	sor.u32 s1, s5  }
0xa: {  	[sflag:s6] =	ssyncpa.u1 $0x0;
	s6 =	simm.s32 $0x1800;
	s11 =	smov.u32 s5  }
.LBB1_5:
0xb: {  	s16 =	sadd.s32 $0x80, s8  }
0xc: {  	s12 =	sadd.s32 $0x80, s9;
	s17 =	smov.u32 s9;
	p2 =	sgt.s32 s16, $0x2FF  }
0xd: {  	s17 =	smov.u32 @p2 s12  }
0xe: {  	s12 =	simm.s32 $0x1;
	p3 =	sgt.s32 s17, $0x7F  }
0xf: {  	s12 =	simm.s32 @!p3 $0x0  }
0x10: {  	s18 =	sadd.s32 s12, s10  }
0x11: {  	s19 =	smov.u32 s11;
	s12 =	sadd.s32 $0x20, s11;
	p4 =	sgt.s32 s18, $0x7  }
0x12: {  	p1 =	slt.u32 s7, $0x2;
	s19 =	smov.u32 @p4 s12  }
0x13: {  	s7 =	sadd.s32 $0x1, s7;
	s16 =	simm.s32 @p2 $0x0;
	p2 =	sgt.s32 s19, $0x1F  }
0x14: {  	s14 =	smov.u32 s8;
	s19 =	smov.u32 @p2 s5;
	p2 =	sne.s32 s7, $0x32  }
.Ltmp1:
0x15: {  	s15 =	smov.u32 s10;
	s20 =	simm.s32 @!p1 $0x2;
	(pc) =	sbr.rel @!p2 .LBB1_6-.Ltmp1, $4  }
0x16: {  	s13 =	smov.u32 s11;
	p0 =	por !p0, !p0;
	_ =	swait.ge @!p1 [sflag:s20], $0x4000  }
0x17: {  	[sflag:s20] =	ssyncset.done @!p1 $0x0;
	s8 =	smov.u32 s16;
	s17 =	simm.s32 @p3 $0x0  }
0x18: {  	[sflag:s20] =	ssyncadd.s32 @!p1 $0xFFFFC000;
	s18 =	simm.s32 @p4 $0x0;
	s12 =	smov.u32 s9  }
0x19: {  	s9 =	smov.u32 s17;
	s10 =	smov.u32 s18;
	s11 =	smov.u32 s19  }
.LBB1_1:
0x1a: {  	p1 =	sgt.u32 s7, $0x2F  }
0x1b: {  	s16 =	sshrl.u32 @!p1 s9, $0x3  }
0x1c: {  	s17 =	sshll.u32 @!p1 s8, $0x3;
	s16 =	smul.u32 @!p1 $0x1800, s16  }
0x1d: {  	s18 =	sshll.u32 @!p1 s9, $0x7;
	s17 =	sand.u32 @!p1 $0xFFFFFC00, s17  }
0x1e: {  	s16 =	sadd.s32 @!p1 s16, s17;
	s17 =	sand.u32 @!p1 $0x380, s18  }
0x1f: {  	s18 =	sand.u32 @!p1 $0x7F, s8;
	s16 =	sor.u32 @!p1 s17, s16  }
0x20: {  	s17 =	sor.u32 @!p1 s18, s16  }
0x21: {  	s18 =	smulhi.u32 @!p1 $0xAAAAAAAB, s17  }
0x22: {  	s16 =	smulhi.u32 @!p1 $0xAAAAAAAB, s16  }
0x23: {  	s20 =	smul.u32 @!p1 $0x18000, s11;
	s18 =	sshrl.u32 @!p1 s18, $0x9  }
0x24: {  	s19 =	sxor.u32 @!p1 $0xFFFFFFFF, s7;
	s16 =	sshrl.u32 @!p1 s16, $0x9;
	s18 =	smul.u32 @!p1 $0x300, s18  }
0x25: {  	s21 =	smul.u32 @!p1 $0x3000, s10;
	s19 =	sshll.u32 @!p1 s19, $0xE;
	s16 =	sand.u32 @!p1 $0x7F, s16  }
0x26: {  	s16 =	smul.u32 @!p1 $0x60, s16;
	s17 =	ssub.s32 @!p1 s17, s18;
	s18 =	sadd.s32 @!p1 s2, s20  }
0x27: {  	s19 =	sand.u32 @!p1 $0x4000, s19;
	s18 =	sadd.s32 @!p1 s21, s18;
	s20 =	sand.u32 @!p1 $0x7, s17  }
0x28: {  	s17 =	sshrl.u32 @!p1 s17, $0x3;
	s16 =	sadd.s32 @!p1 s16, s18;
	s18 =	sshll.u32 @!p1 s20, $0x12  }
0x29: {  	s16 =	sadd.s32 @!p1 s17, s16;
	s17 =	sor.u32 @!p1 $0x400, s18;
	s18 =	simm.s32 @!p1 $0x1800  }
0x2a: {  	[tilespmem:s19], [sflag:$0x1] =	stream.strided.gather @!p1 [hbm4b:s16+s17], $0x4000, s18, s17, $0x38;
	[tilespmem:$0x10000] =	vst v63  }
0x2b: {  	p1 =	seq.s32 s7, $0x0  }
0x2c: {  	p2 =	seq.s32 @!p1 s7, $0x31  }
0x2d: {  	p1 =	por p1, p2  }
.Ltmp2:
0x2e: {  	_ = 	snop;
	(pc) =	sbr.rel @p1 .LBB1_5-.Ltmp2, $1  }
0x2f: {  	_ =	sdelay $0x3  }
0x30: {  	s16 =	simm.s32 $0x1  }
0x31: {  	s16 =	simm.s32 @!p0 $0x0  }
0x32: {  	s16 =	sshll.u32 s16, $0xE  }
0x33: {  	s17 =	sor.u32 $0x40, s16  }
0x34: {  	v1 =	vmov s17;
	_ =	sdelay $0x1  }
0x35: {  	_ =	swait.ge [sflag:s4], $0x4000  }
0x36: {  	[sflag:s4] =	ssyncset.done $0x0  }
0x37: {  	s18 =	simm.s32 $0x0;
	[sflag:s4] =	ssyncadd.s32 $0xFFFFC000  }
0x38: {  	s16 =	sor.u32 $0x8070, s16;
	v6 =	vld.idx.msk [tilespmem:v1+s18+$0x30 ss:$0x1], $0xffff  }
0x39: {  	v0 =	vmov s16;
	v8 =	vld.idx.msk [tilespmem:v1+s18+$0xFFFFFFC0 ss:$0x1], $0xffff  }
0x3a: {  	v7 =	vld.idx.msk [tilespmem:v1+s18+$0xFFFFFFD0 ss:$0x1], $0xffff  }
0x3b: {  	v5 =	vld.idx.msk [tilespmem:v1+s18+$0xFFFFFFE0 ss:$0x1], $0xffff  }
0x3c: {  	v4 =	vld.idx.msk [tilespmem:v1+s18+$0xFFFFFFF0 ss:$0x1], $0xffff  }
0x3d: {  	s31 =	sshll.u32 s7, $0xE;
	v2 =	vld.idx.msk [tilespmem:v1+s18+$0x0 ss:$0x1], $0xffff  }
0x3e: {  	s16 =	sand.u32 $0x4000, s31;
	v3 =	vld.idx.msk [tilespmem:v1+s18+$0x10 ss:$0x1], $0xffff;
	[tilespmem:v0+s18+$0x0 ss:$0x1] =	vst.idx.msk $0xffff, v6  }
0x3f: {  	s19 =	simm.s32 $0x400;
	s17 =	simm.s32 $0x80;
	s16 =	sor.u32 $0x8000, s16;
	[tilespmem:v0+s18+$0xFFFFFF90 ss:$0x1] =	vst.idx.msk $0xffff, v8;
	v6 =	vld.idx.msk [tilespmem:v1+s18+$0x20 ss:$0x1], $0xffff  }
.LBB1_3:
0x40: {  	p1 =	sne.s32 s19, $0xFE00;
	v8 =	vld.idx.msk [tilespmem:v1+s17+$0x30 ss:$0x1], $0xffff;
	[tilespmem:v0+s18+$0xFFFFFFA0 ss:$0x1] =	vst.idx.msk $0xffff, v7  }
0x41: {  	v9 =	vld.idx.msk [tilespmem:v1+s17+$0xFFFFFFC0 ss:$0x1], $0xffff;
	[tilespmem:v0+s18+$0xFFFFFFB0 ss:$0x1] =	vst.idx.msk $0xffff, v5  }
0x42: {  	v7 =	vld.idx.msk [tilespmem:v1+s17+$0xFFFFFFD0 ss:$0x1], $0xffff;
	[tilespmem:v0+s18+$0xFFFFFFC0 ss:$0x1] =	vst.idx.msk $0xffff, v4  }
.Ltmp3:
0x43: {  	v5 =	vld.idx.msk [tilespmem:v1+s17+$0xFFFFFFE0 ss:$0x1], $0xffff;
	[tilespmem:v0+s18+$0xFFFFFFD0 ss:$0x1] =	vst.idx.msk $0xffff, v2;
	(pc) =	sbr.rel @p1 .LBB1_3-.Ltmp3, $4  }
0x44: {  	v4 =	vld.idx.msk [tilespmem:v1+s17+$0xFFFFFFF0 ss:$0x1], $0xffff;
	[tilespmem:v0+s18+$0xFFFFFFE0 ss:$0x1] =	vst.idx.msk $0xffff, v3  }
0x45: {  	v2 =	vld.idx.msk [tilespmem:v1+s17+$0x0 ss:$0x1], $0xffff;
	[tilespmem:v0+s18+$0xFFFFFFF0 ss:$0x1] =	vst.idx.msk $0xffff, v6;
	s18 =	smov.u32 s17  }
0x46: {  	v3 =	vld.idx.msk [tilespmem:v1+s18+$0x10 ss:$0x1], $0xffff;
	[tilespmem:v0+s18+$0x0 ss:$0x1] =	vst.idx.msk $0xffff, v8  }
0x47: {  	s17 =	sshra.s32 s19, $0x2;
	s19 =	sadd.s32 $0x200, s19;
	[tilespmem:v0+s18+$0xFFFFFF90 ss:$0x1] =	vst.idx.msk $0xffff, v9;
	v6 =	vld.idx.msk [tilespmem:v1+s18+$0x20 ss:$0x1], $0xffff  }
0x48: {  	_ =	sdelay $0x2  }
0x49: {  	s19 =	sshrl.u32 s15, $0x3  }
0x4a: {  	s20 =	sshll.u32 s14, $0x3;
	[tilespmem:v0+s18+$0xFFFFFFA0 ss:$0x1] =	vst.idx.msk $0xffff, v7;
	s19 =	smul.u32 $0x1800, s19  }
0x4b: {  	s27 =	sshll.u32 s15, $0x7;
	v56 =	vld.idx.msk [tilespmem:v1+s17+$0x30 ss:$0x1], $0xffff;
	[tilespmem:v0+s18+$0xFFFFFFB0 ss:$0x1] =	vst.idx.msk $0xffff, v5;
	s20 =	sand.u32 $0xFFFFFC00, s20  }
0x4c: {  	v57 =	vld.idx.msk [tilespmem:v1+s17+$0xFFFFFFC0 ss:$0x1], $0xffff;
	s15 =	sand.u32 $0x380, s27;
	[tilespmem:v0+s18+$0xFFFFFFC0 ss:$0x1] =	vst.idx.msk $0xffff, v4;
	s19 =	sadd.s32 s19, s20  }
0x4d: {  	s28 =	sand.u32 $0x7F, s14;
	v58 =	vld.idx.msk [tilespmem:v1+s17+$0xFFFFFFD0 ss:$0x1], $0xffff;
	[tilespmem:v0+s18+$0xFFFFFFD0 ss:$0x1] =	vst.idx.msk $0xffff, v2;
	s15 =	sor.u32 s15, s19  }
0x4e: {  	v59 =	vld.idx.msk [tilespmem:v1+s17+$0xFFFFFFE0 ss:$0x1], $0xffff;
	[tilespmem:v0+s18+$0xFFFFFFE0 ss:$0x1] =	vst.idx.msk $0xffff, v3;
	s14 =	sor.u32 s28, s15;
	s15 =	smulhi.u32 $0xAAAAAAAB, s15  }
0x4f: {  	v60 =	vld.idx.msk [tilespmem:v1+s17+$0xFFFFFFF0 ss:$0x1], $0xffff;
	[tilespmem:v0+s18+$0xFFFFFFF0 ss:$0x1] =	vst.idx.msk $0xffff, v6;
	s29 =	smulhi.u32 $0xAAAAAAAB, s14  }
0x50: {  	v61 =	vld.idx.msk [tilespmem:v1+s17+$0x0 ss:$0x1], $0xffff;
	s13 =	smul.u32 $0x18000, s13;
	[tilespmem:v0+s17+$0x0 ss:$0x1] =	vst.idx.msk $0xffff, v56  }
0x51: {  	v62 =	vld.idx.msk [tilespmem:v1+s17+$0x10 ss:$0x1], $0xffff;
	s12 =	smul.u32 $0x300, s12;
	[tilespmem:v0+s17+$0xFFFFFF90 ss:$0x1] =	vst.idx.msk $0xffff, v57;
	s15 =	sshrl.u32 s15, $0x9;
	s30 =	sshrl.u32 s29, $0x9  }
0x52: {  	v63 =	vld.idx.msk [tilespmem:v1+s17+$0x20 ss:$0x1], $0xffff;
	[tilespmem:v0+s17+$0xFFFFFFA0 ss:$0x1] =	vst.idx.msk $0xffff, v58;
	s15 =	sand.u32 $0x7, s15;
	s18 =	smul.u32 $0x300, s30  }
0x53: {  	[tilespmem:v0+s17+$0xFFFFFFB0 ss:$0x1] =	vst.idx.msk $0xffff, v59;
	s15 =	smul.u32 $0x60, s15  }
.Ltmp4:
0x54: {  	s13 =	sadd.s32 s3, s13;
	[tilespmem:v0+s17+$0xFFFFFFC0 ss:$0x1] =	vst.idx.msk $0xffff, v60;
	s14 =	ssub.s32 s14, s18;
	(pc) =	sbr.rel .LBB1_5-.Ltmp4, $4  }
0x55: {  	s12 =	sadd.s32 s12, s13;
	[tilespmem:v0+s17+$0xFFFFFFD0 ss:$0x1] =	vst.idx.msk $0xffff, v61;
	s31 =	sand.u32 $0x7, s14  }
0x56: {  	[tilespmem:v0+s17+$0xFFFFFFE0 ss:$0x1] =	vst.idx.msk $0xffff, v62;
	s12 =	sadd.s32 s15, s12;
	s14 =	sshrl.u32 s14, $0x3;
	s13 =	sshll.u32 s31, $0x12  }
0x57: {  	[tilespmem:v0+s17+$0xFFFFFFF0 ss:$0x1] =	vst.idx.msk $0xffff, v63;
	s12 =	sadd.s32 s14, s12;
	s13 =	sor.u32 $0x80, s13  }
0x58: {  	[hbm4b:s12+s13] =	stream.strided.scatter [tilespmem:s16], [sflag:$0x2], $0x4000, s6, s13, $0x38;
	[tilespmem:$0x10000] =	vst v63  }
.LBB1_6:
0x59: {  	_ =	sfence.sel $0x180000  }
0x5a: {  	s2 =	simm.s32 $0x1;
	[bflag:$0x0] =	sbarrier.arrive $0xFFFF  }
0x5b: {  	s31 =	simm.s32 $0x2;
	[sflag:s2] =	ssyncpa.u1 $0x1  }
0x5c: {  	[sflag:s31] =	ssyncpa.u1 $0x1  }
0x5d: {  	p0 =	sne.s32 s1, $0x0;
	_ =	strace $0x90000047  }
0x5e: {  	s0 =	sadd.s32 @!p0 $0x100000, s0;
	[bflag:$0x2] =	sbarrier.arrive $0xFFFF  }
0x5f: {  	[sflag:s0] =	ssyncadd.tile.s32 @!p0 $0x1;
	_ =	shalt  }
.Lfunc_end1:
_tile_overlayer_lowered:
.L_overlay_start_2:
0x60: {  	(tag) =	ssettag $0x2  }
0x61: {  	s0 =	rddreg [dreg:$0x0];
	s2 =	stileid.u32  }
0x62: {  	s1 =	rddreg [dreg:$0x1];
	p0 =	sne.s32 s2, $0x0  }
0x63: {  	s3 =	rddreg [dreg:$0x2];
	[bflag:$0x3] =	sbarrier.arrive $0xFFFF;
	s2 =	simm.s32 @!p0 $0x1C01  }
0x64: {  	[timem:s3], [sflag:s2] =	dma.local @!p0 [hbm:s0], s1  }
0x65: {  	s0 =	simm.s32 @!p0 $0x1  }
0x66: {  	_ =	swait.ge @!p0 [sflag:s0], s1  }
0x67: {  	s1 =	ssub.s32 @!p0 $0x0, s1;
	[sflag:s0] =	ssyncset.done @!p0 $0x0  }
0x68: {  	[sflag:s0] =	ssyncadd.s32 @!p0 s1  }
0x69: {  	[bflag:$0x3] =	sbarrier.arrive $0xFFFF  }
0x6a: {  	_ =	shalt  }

// kernel: sparse-core-data-format-call.cloned.1.call-start
scs
called_computation_lowered:
.L_overlay_start_0:
0x0: {  	s2 =	sld [smem:$0x3FD9]  }
0x1: {  	s3 =	sld [smem:$0x3FFE];
	_ =	sdelay $0x1  }
0x2: {  	s1 =	srdreg.scid  }
0x3: {  	s0 =	sand.u32 $0x1, s1  }
0x4: {  	s18 =	sshll.u32 s0, $0xA;
	s2 =	sadd.s32 s3, s2  }
0x5: {  	s2 =	sadd.s32 s2, s18  }
0x6: {  	[smem:$0x3FC7] =	sst s2  }
0x7: {  	_ = 	snop  }
0x8: {  	s2 =	sld [smem:$0x3FD0];
	(tm) =	ssettm $0x1  }
0x9: {  	s19 =	sld [smem:$0x3FFB];
	_ =	sdelay $0x3  }
0xa: {  	_ =	strace s19  }
0xb: {  	s3 =	sld [smem:$0x3FFC];
	_ =	sdelay $0x3  }
0xc: {  	_ =	strace s3  }
0xd: {  	s3 =	sld [smem:$0x3FFD];
	_ =	sdelay $0x3  }
0xe: {  	_ =	strace s3  }
0xf: {  	_ =	strace $0x8FFFFFFF  }
0x10: {  	s20 =	sld [smem:$0x3FDB];
	_ =	sdelay $0x1  }
0x11: {  	s4 =	simm.s32 $_scs_section_size  }
0x12: {  	s5 =	simm.s32 $_size__tile_overlayer_lowered;
	s6 =	simm.s32 $_tile_overlayer_lowered  }
0x13: {  	s23 =	simm.s32 $0x1BFF;
	s22 =	sshll.u32 s6, $0x1;
	s3 =	sadd.s32 s4, s20  }
0x14: {  	s7 =	simm.s32 $0x0;
	s21 =	sshll.u32 s5, $0x1;
	s5 =	sadd.s32 s22, s3  }
0x15: {  	[timem:s7], [sflag:s23] =	dma.local [hbm:s5], s21  }
0x16: {  	_ =	swait.ge [sflag:s23], s21  }
0x17: {  	s4 =	ssub.s32 $0x0, s21;
	[sflag:s23] =	ssyncset.done $0x0  }
0x18: {  	[sflag:s23] =	ssyncadd.s32 s4;
	_ =	sdelay $0x1  }
0x19: {  	s24 =	simm.s32 $0x1B8B  }
0x1a: {  	_ =	swait.ge [sflag:s24], $0x1  }
0x1b: {  	[sflag:s24] =	ssyncset.done $0x0  }
0x1c: {  	s26 =	simm.s32 $0x1B8E;
	s25 =	sld [smem:$0x3FFE];
	[sflag:s24] =	ssyncadd.s32 $0xFFFFFFFF  }
0x1d: {  	s27 =	simm.s32 $execute0_lowered;
	[smem:$0x3FD2] =	sst s26  }
0x1e: {  	s5 =	sshll.u32 s27, $0x1;
	_ =	strace $0x8000004C;
	[dreg:$0x1] =	wrdreg $0xFFFFFFFF  }
0x1f: {  	s28 =	simm.s32 $_size_execute0_lowered;
	s3 =	sadd.s32 s3, s5;
	[dreg:$0x0] =	wrdreg $0x0  }
0x20: {  	s5 =	sshll.u32 s28, $0x1;
	[dreg:$0x2] =	wrdreg s3  }
0x21: {  	[dreg:$0x3] =	wrdreg s5  }
0x22: {  	[dreg:$0x4] =	wrdreg $0xC0  }
0x23: {  	_ =	task [dreg:s7], $0x5FFFF  }
0x24: {  	[dreg:$0x1] =	wrdreg $0xFFFFFFFF  }
0x25: {  	[dreg:$0x0] =	wrdreg $0x60  }
0x26: {  	[dreg:$0x2] =	wrdreg s25  }
0x27: {  	[dreg:$0x3] =	wrdreg s2  }
0x28: {  	[dreg:$0x4] =	wrdreg $0x9  }
0x29: {  	_ =	task.clear_ibuf [dreg:s7], $0x5FFFF;
	_ =	strace $0x9000004C  }
0x2a: {  	s29 =	simm.s32 $0x9;
	_ =	strace $0x8000004E  }
0x2b: {  	_ =	swait.ge [sflag:s29], $0x1  }
0x2c: {  	[sflag:s29] =	ssyncadd.s32 $0xFFFFFFFF  }
0x2d: {  	_ =	strace $0x9000004E  }
0x2e: {  	_ =	sfence  }
0x2f: {  	s30 =	sld [smem:$0x0];
	_ =	sdelay $0x2  }
0x30: {  	s31 =	sshll.u32 s1, $0xD;
	s1 =	sshrl.u32 s1, $0x2  }
0x31: {  	s3 =	sand.u32 $0x4000, s31;
	s1 =	sadd.s32 s1, s30  }
0x32: {  	s0 =	sor.u32 s3, s0;
	s1 =	sshll.u32 s1, $0x11  }
0x33: {  	s0 =	sor.u32 s1, s0  }
0x34: {  	s0 =	sadd.s32 $0x8F2B, s0  }
0x35: {  	[sflag:s0] =	ssyncadd.remote.s32 $0x1  }
0x36: {  	_ =	sfence.sel $0xFFFF  }
0x37: {  	[dreg:$0x0] =	wrdreg $0xFFFFFFFF;
	(pc) =	sbr.abs _section_cstart, $3  }
0x38: {  	[dreg:$0x1] =	wrdreg $0xFFFFFFFF  }
0x39: {  	_ =	task.clear_ibuf [dreg:s7], $0x2FFFF;
	_ =	strace $0x9FFFFFFF  }
0x3a: {  	(tm) =	ssettm $0x7FFFFFFF  }
0x3b: {  	_ =	shalt  }
tec
execute0_lowered:
.L_overlay_start_1:
0x0: {  	(tag) =	ssettag $0x1  }
0x1: {  	s0 =	srdreg.scid;
	s3 =	rddreg [dreg:$0x0]  }
0x2: {  	s2 =	rddreg [dreg:$0x1];
	s7 =	simm.s32 $0x2;
	s16 =	simm.s32 $0x0  }
0x3: {  	p0 =	por $0x0, $0x0;
	s8 =	simm.s32 $0x30000;
	s14 =	simm.s32 $0x0  }
0x4: {  	s17 =	simm.s32 $0x0;
	s15 =	simm.s32 $0x0;
	s1 =	sand.u32 $0x1, s0  }
0x5: {  	s9 =	simm.s32 $0x0;
	s10 =	simm.s32 $0x0;
	s4 =	ssub.s32 $0x10, s1  }
.Ltmp0:
0x6: {  	s12 =	stileid.u32;
	s5 =	sshrl.u32 s4, $0x1;
	(pc) =	sbr.rel .LBB1_1-.Ltmp0, $4  }
0x7: {  	s13 =	simm.s32 $0x0;
	s0 =	rddreg [dreg:$0x2];
	s6 =	ssub.s32 s4, s5  }
0x8: {  	_ =	strace $0x8000004D;
	s5 =	simm.s32 $0x1;
	s6 =	smul.u32 $0x6, s6  }
0x9: {  	s11 =	smov.u32 s1;
	s4 =	sadd.s32 $0xC00, s3;
	[sflag:s5] =	ssyncpa.u1 $0x0  }
0xa: {  	s3 =	stileid.u32;
	[sflag:s7] =	ssyncpa.u1 $0x0;
	s7 =	sor.u32 $0x1, s6  }
.LBB1_4:
0xb: {  	_ =	sdelay $0x2  }
0xc: {  	s21 =	sshrl.u32 s17, $0x3  }
0xd: {  	s22 =	sshll.u32 s16, $0x3;
	[tilespmem:v0+s20+$0xFFFFFFA0 ss:$0x1] =	vst.idx.msk $0xffff, v7;
	s21 =	smul.u32 $0x1800, s21  }
0xe: {  	s27 =	sshll.u32 s17, $0x7;
	v56 =	vld.idx.msk [tilespmem:v1+s19+$0x30 ss:$0x1], $0xffff;
	[tilespmem:v0+s20+$0xFFFFFFB0 ss:$0x1] =	vst.idx.msk $0xffff, v5;
	s22 =	sand.u32 $0xFFFFFC00, s22  }
0xf: {  	v57 =	vld.idx.msk [tilespmem:v1+s19+$0xFFFFFFC0 ss:$0x1], $0xffff;
	[tilespmem:v0+s20+$0xFFFFFFC0 ss:$0x1] =	vst.idx.msk $0xffff, v4;
	s17 =	sand.u32 $0x380, s27;
	s21 =	sadd.s32 s21, s22  }
0x10: {  	s28 =	sand.u32 $0x7F, s16;
	v58 =	vld.idx.msk [tilespmem:v1+s19+$0xFFFFFFD0 ss:$0x1], $0xffff;
	[tilespmem:v0+s20+$0xFFFFFFD0 ss:$0x1] =	vst.idx.msk $0xffff, v2;
	s17 =	sor.u32 s17, s21  }
0x11: {  	v59 =	vld.idx.msk [tilespmem:v1+s19+$0xFFFFFFE0 ss:$0x1], $0xffff;
	[tilespmem:v0+s20+$0xFFFFFFE0 ss:$0x1] =	vst.idx.msk $0xffff, v3;
	s16 =	sor.u32 s28, s17  }
0x12: {  	[tilespmem:v0+s20+$0xFFFFFFF0 ss:$0x1] =	vst.idx.msk $0xffff, v6;
	v60 =	vld.idx.msk [tilespmem:v1+s19+$0xFFFFFFF0 ss:$0x1], $0xffff;
	s29 =	smulhi.u32 $0xAAAAAAAB, s16  }
0x13: {  	v61 =	vld.idx.msk [tilespmem:v1+s19+$0x0 ss:$0x1], $0xffff;
	[tilespmem:v0+s19+$0x0 ss:$0x1] =	vst.idx.msk $0xffff, v56;
	s17 =	smulhi.u32 $0xAAAAAAAB, s17  }
0x14: {  	v62 =	vld.idx.msk [tilespmem:v1+s19+$0x10 ss:$0x1], $0xffff;
	s15 =	smul.u32 $0x600, s15;
	[tilespmem:v0+s19+$0xFFFFFF90 ss:$0x1] =	vst.idx.msk $0xffff, v57;
	s30 =	sshrl.u32 s29, $0x9  }
0x15: {  	v63 =	vld.idx.msk [tilespmem:v1+s19+$0x20 ss:$0x1], $0xffff;
	[tilespmem:v0+s19+$0xFFFFFFA0 ss:$0x1] =	vst.idx.msk $0xffff, v58;
	s17 =	sshrl.u32 s17, $0x9;
	s20 =	smul.u32 $0x300, s30  }
0x16: {  	s14 =	smul.u32 $0x6000, s14;
	[tilespmem:v0+s19+$0xFFFFFFB0 ss:$0x1] =	vst.idx.msk $0xffff, v59;
	s17 =	sand.u32 $0xF, s17  }
0x17: {  	s15 =	sadd.s32 s2, s15;
	[tilespmem:v0+s19+$0xFFFFFFC0 ss:$0x1] =	vst.idx.msk $0xffff, v60;
	s17 =	smul.u32 $0x60, s17;
	s16 =	ssub.s32 s16, s20  }
0x18: {  	s14 =	sadd.s32 s14, s15;
	[tilespmem:v0+s19+$0xFFFFFFD0 ss:$0x1] =	vst.idx.msk $0xffff, v61;
	s31 =	sand.u32 $0x7, s16  }
0x19: {  	[tilespmem:v0+s19+$0xFFFFFFE0 ss:$0x1] =	vst.idx.msk $0xffff, v62;
	s14 =	sadd.s32 s17, s14;
	s16 =	sshrl.u32 s16, $0x3;
	s15 =	sshll.u32 s31, $0x12  }
0x1a: {  	[tilespmem:v0+s19+$0xFFFFFFF0 ss:$0x1] =	vst.idx.msk $0xffff, v63;
	s14 =	sadd.s32 s16, s14;
	s15 =	sor.u32 $0x80, s15  }
0x1b: {  	[hbm4b:s14+s15] =	stream.strided.scatter [tilespmem:s18], [sflag:$0x2], $0x4000, s8, s15, $0x38;
	[tilespmem:$0x10000] =	vst v63  }
.LBB1_5:
0x1c: {  	s18 =	sadd.s32 $0x80, s9  }
0x1d: {  	s14 =	sadd.s32 $0x80, s10;
	s19 =	smov.u32 s10;
	p2 =	sgt.s32 s18, $0x2FF  }
0x1e: {  	s19 =	smov.u32 @p2 s14  }
0x1f: {  	s20 =	smov.u32 s11;
	s14 =	sadd.s32 $0x2, s11;
	p3 =	sgt.s32 s19, $0x7F  }
0x20: {  	s20 =	smov.u32 @p3 s14  }
0x21: {  	s21 =	smov.u32 s12;
	s14 =	sadd.s32 $0x10, s12;
	p4 =	sgt.s32 s20, $0xF  }
0x22: {  	p1 =	slt.u32 s13, $0x2;
	s21 =	smov.u32 @p4 s14  }
0x23: {  	s16 =	smov.u32 s9;
	s18 =	simm.s32 @p2 $0x0;
	p2 =	sgt.s32 s21, $0xF  }
0x24: {  	s22 =	simm.s32 @!p1 $0x2;
	s21 =	smov.u32 @p2 s3;
	p2 =	sne.s32 s13, s7  }
.Ltmp1:
0x25: {  	s17 =	smov.u32 s11;
	_ =	swait.ge @!p1 [sflag:s22], $0x4000;
	(pc) =	sbr.rel @!p2 .LBB1_6-.Ltmp1, $4  }
0x26: {  	s15 =	smov.u32 s12;
	p0 =	por !p0, !p0;
	[sflag:s22] =	ssyncset.done @!p1 $0x0  }
0x27: {  	s9 =	smov.u32 s18;
	s19 =	simm.s32 @p3 $0x0;
	[sflag:s22] =	ssyncadd.s32 @!p1 $0xFFFFC000  }
0x28: {  	s20 =	smov.u32 @p4 s1;
	s14 =	smov.u32 s10;
	s10 =	smov.u32 s19  }
0x29: {  	s11 =	smov.u32 s20;
	s13 =	sadd.s32 $0x1, s13;
	s12 =	smov.u32 s21  }
.LBB1_1:
0x2a: {  	p1 =	sge.u32 s13, s6  }
0x2b: {  	s18 =	sshrl.u32 @!p1 s10, $0x3  }
0x2c: {  	s19 =	sshll.u32 @!p1 s9, $0x3;
	s18 =	smul.u32 @!p1 $0x1800, s18  }
0x2d: {  	s20 =	sshll.u32 @!p1 s10, $0x7;
	s19 =	sand.u32 @!p1 $0xFFFFFC00, s19  }
0x2e: {  	s18 =	sadd.s32 @!p1 s18, s19;
	s19 =	sand.u32 @!p1 $0x380, s20  }
0x2f: {  	s20 =	sand.u32 @!p1 $0x7F, s9;
	s18 =	sor.u32 @!p1 s19, s18  }
0x30: {  	s19 =	sor.u32 @!p1 s20, s18  }
0x31: {  	s20 =	smulhi.u32 @!p1 $0xAAAAAAAB, s19  }
0x32: {  	s18 =	smulhi.u32 @!p1 $0xAAAAAAAB, s18  }
0x33: {  	s31 =	sadd.s32 $0xFFFFFFFF, s13;
	s22 =	smul.u32 @!p1 $0x30000, s12;
	s20 =	sshrl.u32 @!p1 s20, $0x9  }
0x34: {  	s21 =	sxor.u32 @!p1 $0xFFFFFFFF, s13;
	s18 =	sshrl.u32 @!p1 s18, $0x9;
	s20 =	smul.u32 @!p1 $0x300, s20  }
0x35: {  	s23 =	smul.u32 @!p1 $0x3000, s11;
	s21 =	sshll.u32 @!p1 s21, $0xE;
	s18 =	sand.u32 @!p1 $0x7F, s18  }
0x36: {  	s18 =	smul.u32 @!p1 $0x60, s18;
	s19 =	ssub.s32 @!p1 s19, s20;
	s20 =	sadd.s32 @!p1 s4, s22  }
0x37: {  	s21 =	sand.u32 @!p1 $0x4000, s21;
	s20 =	sadd.s32 @!p1 s23, s20;
	s22 =	sand.u32 @!p1 $0x7, s19  }
0x38: {  	s19 =	sshrl.u32 @!p1 s19, $0x3;
	s18 =	sadd.s32 @!p1 s18, s20;
	s20 =	sshll.u32 @!p1 s22, $0x12  }
0x39: {  	s18 =	sadd.s32 @!p1 s19, s18;
	s19 =	sor.u32 @!p1 $0x400, s20;
	s20 =	simm.s32 @!p1 $0x1800  }
0x3a: {  	[tilespmem:s21], [sflag:$0x1] =	stream.strided.gather @!p1 [hbm4b:s18+s19], $0x4000, s20, s19, $0x38;
	[tilespmem:$0x10000] =	vst v63  }
0x3b: {  	p1 =	sge.u32 s31, s6  }
.Ltmp2:
0x3c: {  	_ = 	snop;
	(pc) =	sbr.rel @p1 .LBB1_5-.Ltmp2, $1  }
0x3d: {  	_ =	sdelay $0x3  }
0x3e: {  	s18 =	simm.s32 $0x1  }
0x3f: {  	s18 =	simm.s32 @!p0 $0x0  }
0x40: {  	s18 =	sshll.u32 s18, $0xE  }
0x41: {  	s19 =	sor.u32 $0x40, s18  }
0x42: {  	v1 =	vmov s19;
	_ =	sdelay $0x1  }
0x43: {  	_ =	swait.ge [sflag:s5], $0x4000  }
0x44: {  	[sflag:s5] =	ssyncset.done $0x0  }
0x45: {  	s20 =	simm.s32 $0x0;
	[sflag:s5] =	ssyncadd.s32 $0xFFFFC000  }
0x46: {  	s18 =	sor.u32 $0x8070, s18;
	v6 =	vld.idx.msk [tilespmem:v1+s20+$0x30 ss:$0x1], $0xffff  }
0x47: {  	v0 =	vmov s18;
	v8 =	vld.idx.msk [tilespmem:v1+s20+$0xFFFFFFC0 ss:$0x1], $0xffff  }
0x48: {  	v7 =	vld.idx.msk [tilespmem:v1+s20+$0xFFFFFFD0 ss:$0x1], $0xffff  }
0x49: {  	v5 =	vld.idx.msk [tilespmem:v1+s20+$0xFFFFFFE0 ss:$0x1], $0xffff  }
0x4a: {  	v4 =	vld.idx.msk [tilespmem:v1+s20+$0xFFFFFFF0 ss:$0x1], $0xffff  }
0x4b: {  	s31 =	sshll.u32 s13, $0xE;
	v2 =	vld.idx.msk [tilespmem:v1+s20+$0x0 ss:$0x1], $0xffff  }
0x4c: {  	s18 =	sand.u32 $0x4000, s31;
	v3 =	vld.idx.msk [tilespmem:v1+s20+$0x10 ss:$0x1], $0xffff;
	[tilespmem:v0+s20+$0x0 ss:$0x1] =	vst.idx.msk $0xffff, v6  }
0x4d: {  	s21 =	simm.s32 $0x400;
	s19 =	simm.s32 $0x80;
	s18 =	sor.u32 $0x8000, s18;
	[tilespmem:v0+s20+$0xFFFFFF90 ss:$0x1] =	vst.idx.msk $0xffff, v8;
	v6 =	vld.idx.msk [tilespmem:v1+s20+$0x20 ss:$0x1], $0xffff  }
.LBB1_3:
0x4e: {  	p1 =	sne.s32 s21, $0xFE00;
	v8 =	vld.idx.msk [tilespmem:v1+s19+$0x30 ss:$0x1], $0xffff;
	[tilespmem:v0+s20+$0xFFFFFFA0 ss:$0x1] =	vst.idx.msk $0xffff, v7  }
0x4f: {  	v9 =	vld.idx.msk [tilespmem:v1+s19+$0xFFFFFFC0 ss:$0x1], $0xffff;
	[tilespmem:v0+s20+$0xFFFFFFB0 ss:$0x1] =	vst.idx.msk $0xffff, v5  }
0x50: {  	v7 =	vld.idx.msk [tilespmem:v1+s19+$0xFFFFFFD0 ss:$0x1], $0xffff;
	[tilespmem:v0+s20+$0xFFFFFFC0 ss:$0x1] =	vst.idx.msk $0xffff, v4  }
.Ltmp3:
0x51: {  	v5 =	vld.idx.msk [tilespmem:v1+s19+$0xFFFFFFE0 ss:$0x1], $0xffff;
	[tilespmem:v0+s20+$0xFFFFFFD0 ss:$0x1] =	vst.idx.msk $0xffff, v2;
	(pc) =	sbr.rel @p1 .LBB1_3-.Ltmp3, $4  }
0x52: {  	v4 =	vld.idx.msk [tilespmem:v1+s19+$0xFFFFFFF0 ss:$0x1], $0xffff;
	[tilespmem:v0+s20+$0xFFFFFFE0 ss:$0x1] =	vst.idx.msk $0xffff, v3  }
0x53: {  	v2 =	vld.idx.msk [tilespmem:v1+s19+$0x0 ss:$0x1], $0xffff;
	[tilespmem:v0+s20+$0xFFFFFFF0 ss:$0x1] =	vst.idx.msk $0xffff, v6;
	s20 =	smov.u32 s19  }
0x54: {  	v3 =	vld.idx.msk [tilespmem:v1+s20+$0x10 ss:$0x1], $0xffff;
	[tilespmem:v0+s20+$0x0 ss:$0x1] =	vst.idx.msk $0xffff, v8  }
0x55: {  	s19 =	sshra.s32 s21, $0x2;
	s21 =	sadd.s32 $0x200, s21;
	[tilespmem:v0+s20+$0xFFFFFF90 ss:$0x1] =	vst.idx.msk $0xffff, v9;
	v6 =	vld.idx.msk [tilespmem:v1+s20+$0x20 ss:$0x1], $0xffff  }
.Ltmp4:
0x56: {  	_ = 	snop;
	(pc) =	sbr.rel .LBB1_4-.Ltmp4, $1  }
0x57: {  	_ =	sdelay $0x3  }
.LBB1_6:
0x58: {  	_ =	sfence.sel $0x180000  }
0x59: {  	s1 =	simm.s32 $0x1;
	[bflag:$0x0] =	sbarrier.arrive $0xFFFF  }
0x5a: {  	s31 =	simm.s32 $0x2;
	[sflag:s1] =	ssyncpa.u1 $0x1  }
0x5b: {  	[sflag:s31] =	ssyncpa.u1 $0x1  }
0x5c: {  	p0 =	sne.s32 s3, $0x0;
	_ =	strace $0x9000004D  }
0x5d: {  	s0 =	sadd.s32 @!p0 $0x100000, s0;
	[bflag:$0x2] =	sbarrier.arrive $0xFFFF  }
0x5e: {  	[sflag:s0] =	ssyncadd.tile.s32 @!p0 $0x1;
	_ =	shalt  }
.Lfunc_end1:
_tile_overlayer_lowered:
.L_overlay_start_2:
0x5f: {  	(tag) =	ssettag $0x2  }
0x60: {  	s0 =	rddreg [dreg:$0x0];
	s2 =	stileid.u32  }
0x61: {  	s1 =	rddreg [dreg:$0x1];
	p0 =	sne.s32 s2, $0x0  }
0x62: {  	s3 =	rddreg [dreg:$0x2];
	[bflag:$0x3] =	sbarrier.arrive $0xFFFF;
	s2 =	simm.s32 @!p0 $0x1C01  }
0x63: {  	[timem:s3], [sflag:s2] =	dma.local @!p0 [hbm:s0], s1  }
0x64: {  	s0 =	simm.s32 @!p0 $0x1  }
0x65: {  	_ =	swait.ge @!p0 [sflag:s0], s1  }
0x66: {  	s1 =	ssub.s32 @!p0 $0x0, s1;
	[sflag:s0] =	ssyncset.done @!p0 $0x0  }
0x67: {  	[sflag:s0] =	ssyncadd.s32 @!p0 s1  }
0x68: {  	[bflag:$0x3] =	sbarrier.arrive $0xFFFF  }
0x69: {  	_ =	shalt  }

</sc_bundles>
